<compile_context>
chip_gen: v7x
topology: tpu7x:2x2x1
jax: 0.10.2.dev20260603
libtpu: 0.0.44.dev20260713+nightly
codegen_flags: <defaults>
</compile_context>

<pallas_src>
import functools

import jax
import jax.numpy as jnp
from jax import lax
from jax.experimental import pallas as pl
import jax.experimental.pallas.tpu as pltpu
from jax.experimental.pallas import tpu_sc as plsc

BB = 4096
_NC, _NS, _L = 2, 16, 16
_NW = _NC * _NS
_K = -0.72134752044448170368


def _sc_prep(mu_hbm, sg_hbm, idx_hbm, v_hbm, mu_v, sg_v, idx_v, out_v):
    wid = lax.axis_index("s") * _NC + lax.axis_index("c")
    r0 = wid * 2
    pltpu.sync_copy(mu_hbm, mu_v)
    pltpu.sync_copy(sg_hbm, sg_v)
    pltpu.sync_copy(idx_hbm.at[pl.ds(r0 * 64, 2 * 64)], idx_v)
    for rl in range(2):
        csum = jnp.zeros((_L,), jnp.float32)
        for j in range(64 // _L):
            col = lax.iota(jnp.int32, _L) + (j * _L)
            row = idx_v[pl.ds(rl * 64 + j * _L, _L)]
            flat = row * 64 + col
            mu_g = plsc.load_gather(mu_v, [flat])
            s_g = plsc.load_gather(sg_v, [flat])
            s_g = jnp.maximum(s_g, 1e-15)
            w = 1.0 / (s_g * s_g)
            a = mu_g * w
            out_v[pl.ds(rl * 192 + j * _L, _L)] = _K * w
            out_v[pl.ds(rl * 192 + 64 + j * _L, _L)] = (-2.0 * _K) * a
            csum = csum + mu_g * a
        cpart = (0.25 * _K) * csum
        for j in range(64 // _L):
            out_v[pl.ds(rl * 192 + 128 + j * _L, _L)] = cpart
    pltpu.sync_copy(out_v, v_hbm.at[pl.ds(r0 * 192, 2 * 192)])


def _tc_body(x_ref, v_ref, out_ref):
    x = x_ref[...]
    u = jnp.concatenate([x * x, x, jnp.ones_like(x)], axis=1)
    s = lax.dot_general(
        u, v_ref[...], (((1,), (1,)), ((), ())),
        preferred_element_type=jnp.float32,
        precision=lax.Precision.HIGHEST,
    )
    out_ref[...] = jnp.exp2(jnp.minimum(s, 0.0))


@jax.jit
def kernel(x, mu, sigma, rule_masks):
    b, i = x.shape
    r = rule_masks.shape[0]
    mesh = plsc.VectorSubcoreMesh(
        core_axis_name="c", subcore_axis_name="s",
        num_cores=_NC, num_subcores=_NS,
    )
    m = mu.shape[0]
    v = pl.kernel(
        _sc_prep,
        out_type=jax.ShapeDtypeStruct((r * 3 * i,), jnp.float32),
        mesh=mesh,
        compiler_params=pltpu.CompilerParams(needs_layout_passes=False),
        scratch_types=[
            pltpu.VMEM((m * i,), jnp.float32),
            pltpu.VMEM((m * i,), jnp.float32),
            pltpu.VMEM((2 * i,), jnp.int32),
            pltpu.VMEM((2 * 3 * i,), jnp.float32),
        ],
    )(
        mu.reshape(-1),
        sigma.reshape(-1),
        rule_masks.astype(jnp.int32).reshape(-1),
    ).reshape(r, 3 * i)
    return pl.pallas_call(
        _tc_body,
        grid=(b // BB,),
        in_specs=[
            pl.BlockSpec((BB, i), lambda j: (j, 0)),
            pl.BlockSpec((r, 3 * i), lambda j: (0, 0)),
        ],
        out_specs=pl.BlockSpec((BB, r), lambda j: (j, 0)),
        out_shape=jax.ShapeDtypeStruct((b, r), jnp.float32),
    )(x, v)

# --- scband reference (transcript-rebuilt; emitter-appended) ---
"""Pipeline reference for scband-fuzzy-layer-90065464197655 (READ-ONLY COPY).

The authoritative reference and input builder live on the scoring server;
editing this copy changes nothing except your own understanding.
"""

import jax, jax.numpy as jnp
import numpy as np

BATCH = 8192
N_MEMB = 64
N_INPUTS = 64


def setup_inputs(seed: int = 0) -> dict:
    key = jax.random.key(seed)
    k1, k2, k3 = jax.random.split(key, 3)
    x = jax.random.normal(k1, (BATCH, N_INPUTS), dtype=jnp.float32)
    # GaussianLayer params: torch.rand -> uniform [0,1)
    mu = jax.random.uniform(k2, (N_MEMB, N_INPUTS), dtype=jnp.float32)
    sigma = jax.random.uniform(k3, (N_MEMB, N_INPUTS), dtype=jnp.float32)
    # clustering=True, n_random_rules=0 -> rule_masks[i, j] = i (deterministic)
    rule_masks = jnp.broadcast_to(
        jnp.arange(N_MEMB, dtype=jnp.int32)[:, None], (N_MEMB, N_INPUTS)
    )
    return {"x": x, "mu": mu, "sigma": sigma, "rule_masks": rule_masks}


def reference(x, mu, sigma, rule_masks):
    # GaussianLayer: memberships[b, m, i] = exp(-((x[b,i]-mu[m,i])/sigma[m,i])^2 / 2)
    d = (x[:, None, :] - mu[None, :, :]) / sigma[None, :, :]
    memb = jnp.exp(-0.5 * d * d)  # [B, M, I]
    # FuzzyRules: gather memberships along membership axis per rule, then
    # t-norm = Product -> prod over the input axis
    idx = jnp.broadcast_to(
        rule_masks[None, :, :].astype(jnp.int32),
        (x.shape[0], rule_masks.shape[0], rule_masks.shape[1]),
    )
    antecedents = jnp.take_along_axis(memb, idx, axis=1)  # [B, R, I]
    firings = jnp.prod(antecedents, axis=2)  # [B, R]
    return firings

if __name__ == "__main__":
    import jax
    _d = setup_inputs()
    print(jax.jit(kernel)(*tuple(_d.values())))

</pallas_src>

<mosaic_0001>
#map = affine_map<(d0, d1) -> (0)>
module attributes {stable_mosaic.version = 14 : i64} {
  func.func @_sc_prep(%arg0: i32, %arg1: i32, %arg2: memref<4096xf32, #tpu.memory_space<hbm>>, %arg3: memref<4096xf32, #tpu.memory_space<hbm>>, %arg4: memref<4096xi32, #tpu.memory_space<hbm>>, %arg5: memref<12288xf32, #tpu.memory_space<hbm>>, %arg6: memref<4096xf32, #tpu.memory_space<vmem>>, %arg7: memref<4096xf32, #tpu.memory_space<vmem>>, %arg8: memref<128xi32, #tpu.memory_space<vmem>>, %arg9: memref<384xf32, #tpu.memory_space<vmem>>) attributes {dimension_semantics = [#tpu.dimension_semantics<core_parallel>, #tpu.dimension_semantics<subcore_parallel>], iteration_bounds = array<i64: 2, 16>, scalar_prefetch = 0 : i64, scratch_operands = 4 : i64, tpu.core_type = #tpu.core_type<sc_vector_subcore>, window_params = [{transform_indices = #map}, {transform_indices = #map}, {transform_indices = #map}, {transform_indices = #map}]} {
    %mul3A = arith.constant 2 : i32
    %mul3A_0 = arith.muli %arg1, %mul3A : i32
    %add3A = arith.addi %mul3A_0, %arg0 : i32
    %mul3A_1 = arith.constant 2 : i32
    %mul3A_2 = arith.muli %add3A, %mul3A_1 : i32
    "tpu.region"() ({
      %run_scoped3A = tpu.sem_alloc : memref<!tpu.dma_semaphore, #tpu.memory_space<semaphore_mem>>
      tpu.enqueue_dma source(%arg2 : memref<4096xf32, #tpu.memory_space<hbm>>) target(%arg6 : memref<4096xf32, #tpu.memory_space<vmem>>) target_semaphore(%run_scoped3A : memref<!tpu.dma_semaphore, #tpu.memory_space<semaphore_mem>>)
      tpu.wait_dma2 semaphore(%run_scoped3A : memref<!tpu.dma_semaphore, #tpu.memory_space<semaphore_mem>>) src(%arg2 : memref<4096xf32, #tpu.memory_space<hbm>>) dst(%arg6 : memref<4096xf32, #tpu.memory_space<vmem>>)
      tpu.yield
    }) : () -> ()
    "tpu.region"() ({
      %run_scoped3A = tpu.sem_alloc : memref<!tpu.dma_semaphore, #tpu.memory_space<semaphore_mem>>
      tpu.enqueue_dma source(%arg3 : memref<4096xf32, #tpu.memory_space<hbm>>) target(%arg7 : memref<4096xf32, #tpu.memory_space<vmem>>) target_semaphore(%run_scoped3A : memref<!tpu.dma_semaphore, #tpu.memory_space<semaphore_mem>>)
      tpu.wait_dma2 semaphore(%run_scoped3A : memref<!tpu.dma_semaphore, #tpu.memory_space<semaphore_mem>>) src(%arg3 : memref<4096xf32, #tpu.memory_space<hbm>>) dst(%arg7 : memref<4096xf32, #tpu.memory_space<vmem>>)
      tpu.yield
    }) : () -> ()
    %mul3A_3 = arith.constant 64 : i32
    %mul3A_4 = arith.muli %mul3A_2, %mul3A_3 : i32
    "tpu.region"() ({
      %run_scoped3A = tpu.sem_alloc : memref<!tpu.dma_semaphore, #tpu.memory_space<semaphore_mem>>
      %dma_start3A = tpu.memref_slice %arg4[%mul3A_4] : memref<4096xi32, #tpu.memory_space<hbm>> -> memref<128xi32, #tpu.memory_space<hbm>>
      %dma_start3A_282 = tpu.memref_slice %arg4[%mul3A_4] : memref<4096xi32, #tpu.memory_space<hbm>> -> memref<128xi32, #tpu.memory_space<hbm>>
      tpu.enqueue_dma source(%dma_start3A_282 : memref<128xi32, #tpu.memory_space<hbm>>) target(%arg8 : memref<128xi32, #tpu.memory_space<vmem>>) target_semaphore(%run_scoped3A : memref<!tpu.dma_semaphore, #tpu.memory_space<semaphore_mem>>)
      %dma_wait3A = tpu.memref_slice %arg4[%mul3A_4] : memref<4096xi32, #tpu.memory_space<hbm>> -> memref<128xi32, #tpu.memory_space<hbm>>
      %dma_wait3A_283 = tpu.memref_slice %arg4[%mul3A_4] : memref<4096xi32, #tpu.memory_space<hbm>> -> memref<128xi32, #tpu.memory_space<hbm>>
      tpu.wait_dma2 semaphore(%run_scoped3A : memref<!tpu.dma_semaphore, #tpu.memory_space<semaphore_mem>>) src(%dma_wait3A_283 : memref<128xi32, #tpu.memory_space<hbm>>) dst(%arg8 : memref<128xi32, #tpu.memory_space<vmem>>)
      tpu.yield
    }) : () -> ()
    %broadcast_in_dim3A = arith.constant 0.000000e+00 : f32
    %broadcast_in_dim3A_5 = vector.broadcast %broadcast_in_dim3A : f32 to vector<16xf32>
    %iota3A = tpu.iota {dimensions = array<i32: 0>} : vector<16xi32>
    %add3A_6 = arith.constant 0 : i32
    %add3A_7 = vector.broadcast %add3A_6 : i32 to vector<16xi32>
    %add3A_8 = arith.addi %iota3A, %add3A_7 : vector<16xi32>
    %get3A = arith.constant 0 : index
    %get3A_9 = tpu.vector_load %arg8[%get3A] {strides = array<i32>} : memref<128xi32, #tpu.memory_space<vmem>>, vector<16xi32>,
    %mul3A_10 = arith.constant 64 : i32
    %mul3A_11 = vector.broadcast %mul3A_10 : i32 to vector<16xi32>
    %mul3A_12 = arith.muli %get3A_9, %mul3A_11 : vector<16xi32>
    %add3A_13 = arith.addi %mul3A_12, %add3A_8 : vector<16xi32>
    %gather3A = tpu.vector_load_idx %arg6[%add3A_13] : memref<4096xf32, #tpu.memory_space<vmem>>[vector<16xi32>], vector<16xf32>,
    %gather3A_14 = tpu.vector_load_idx %arg7[%add3A_13] : memref<4096xf32, #tpu.memory_space<vmem>>[vector<16xi32>], vector<16xf32>,
    %max3A = arith.constant 1.000000e-15 : f32
    %max3A_15 = vector.broadcast %max3A : f32 to vector<16xf32>
    %max3A_16 = arith.maximumf %gather3A_14, %max3A_15 : vector<16xf32>
    %mul3A_17 = arith.mulf %max3A_16, %max3A_16 : vector<16xf32>
    %div3A = arith.constant 1.000000e+00 : f32
    %div3A_18 = vector.broadcast %div3A : f32 to vector<16xf32>
    %div3A_19 = arith.divf %div3A_18, %mul3A_17 : vector<16xf32>
    %mul3A_20 = arith.mulf %gather3A, %div3A_19 : vector<16xf32>
    %mul3A_21 = arith.constant -0.72134751 : f32
    %mul3A_22 = vector.broadcast %mul3A_21 : f32 to vector<16xf32>
    %mul3A_23 = arith.mulf %mul3A_22, %div3A_19 : vector<16xf32>
    %swap3A = arith.constant 0 : index
    %swap3A_24 = tpu.vector_load %arg9[%swap3A] {strides = array<i32>} : memref<384xf32, #tpu.memory_space<vmem>>, vector<16xf32>,
    tpu.vector_store %arg9[%swap3A], %mul3A_23 {strides = array<i32>} : memref<384xf32, #tpu.memory_space<vmem>>, vector<16xf32>,
    %mul3A_25 = arith.constant 1.44269502 : f32
    %mul3A_26 = vector.broadcast %mul3A_25 : f32 to vector<16xf32>
    %mul3A_27 = arith.mulf %mul3A_26, %mul3A_20 : vector<16xf32>
    %swap3A_28 = arith.constant 64 : index
    %swap3A_29 = tpu.vector_load %arg9[%swap3A_28] {strides = array<i32>} : memref<384xf32, #tpu.memory_space<vmem>>, vector<16xf32>,
    tpu.vector_store %arg9[%swap3A_28], %mul3A_27 {strides = array<i32>} : memref<384xf32, #tpu.memory_space<vmem>>, vector<16xf32>,
    %mul3A_30 = arith.mulf %gather3A, %mul3A_20 : vector<16xf32>
    %add3A_31 = arith.addf %broadcast_in_dim3A_5, %mul3A_30 : vector<16xf32>
    %iota3A_32 = tpu.iota {dimensions = array<i32: 0>} : vector<16xi32>
    %add3A_33 = arith.constant 16 : i32
    %add3A_34 = vector.broadcast %add3A_33 : i32 to vector<16xi32>
    %add3A_35 = arith.addi %iota3A_32, %add3A_34 : vector<16xi32>
    %get3A_36 = arith.constant 16 : index
    %get3A_37 = tpu.vector_load %arg8[%get3A_36] {strides = array<i32>} : memref<128xi32, #tpu.memory_space<vmem>>, vector<16xi32>,
    %mul3A_38 = arith.constant 64 : i32
    %mul3A_39 = vector.broadcast %mul3A_38 : i32 to vector<16xi32>
    %mul3A_40 = arith.muli %get3A_37, %mul3A_39 : vector<16xi32>
    %add3A_41 = arith.addi %mul3A_40, %add3A_35 : vector<16xi32>
    %gather3A_42 = tpu.vector_load_idx %arg6[%add3A_41] : memref<4096xf32, #tpu.memory_space<vmem>>[vector<16xi32>], vector<16xf32>,
    %gather3A_43 = tpu.vector_load_idx %arg7[%add3A_41] : memref<4096xf32, #tpu.memory_space<vmem>>[vector<16xi32>], vector<16xf32>,
    %max3A_44 = arith.constant 1.000000e-15 : f32
    %max3A_45 = vector.broadcast %max3A_44 : f32 to vector<16xf32>
    %max3A_46 = arith.maximumf %gather3A_43, %max3A_45 : vector<16xf32>
    %mul3A_47 = arith.mulf %max3A_46, %max3A_46 : vector<16xf32>
    %div3A_48 = arith.constant 1.000000e+00 : f32
    %div3A_49 = vector.broadcast %div3A_48 : f32 to vector<16xf32>
    %div3A_50 = arith.divf %div3A_49, %mul3A_47 : vector<16xf32>
    %mul3A_51 = arith.mulf %gather3A_42, %div3A_50 : vector<16xf32>
    %mul3A_52 = arith.constant -0.72134751 : f32
    %mul3A_53 = vector.broadcast %mul3A_52 : f32 to vector<16xf32>
    %mul3A_54 = arith.mulf %mul3A_53, %div3A_50 : vector<16xf32>
    %swap3A_55 = arith.constant 16 : index
    %swap3A_56 = tpu.vector_load %arg9[%swap3A_55] {strides = array<i32>} : memref<384xf32, #tpu.memory_space<vmem>>, vector<16xf32>,
    tpu.vector_store %arg9[%swap3A_55], %mul3A_54 {strides = array<i32>} : memref<384xf32, #tpu.memory_space<vmem>>, vector<16xf32>,
    %mul3A_57 = arith.constant 1.44269502 : f32
    %mul3A_58 = vector.broadcast %mul3A_57 : f32 to vector<16xf32>
    %mul3A_59 = arith.mulf %mul3A_58, %mul3A_51 : vector<16xf32>
    %swap3A_60 = arith.constant 80 : index
    %swap3A_61 = tpu.vector_load %arg9[%swap3A_60] {strides = array<i32>} : memref<384xf32, #tpu.memory_space<vmem>>, vector<16xf32>,
    tpu.vector_store %arg9[%swap3A_60], %mul3A_59 {strides = array<i32>} : memref<384xf32, #tpu.memory_space<vmem>>, vector<16xf32>,
    %mul3A_62 = arith.mulf %gather3A_42, %mul3A_51 : vector<16xf32>
    %add3A_63 = arith.addf %add3A_31, %mul3A_62 : vector<16xf32>
    %iota3A_64 = tpu.iota {dimensions = array<i32: 0>} : vector<16xi32>
    %add3A_65 = arith.constant 32 : i32
    %add3A_66 = vector.broadcast %add3A_65 : i32 to vector<16xi32>
    %add3A_67 = arith.addi %iota3A_64, %add3A_66 : vector<16xi32>
    %get3A_68 = arith.constant 32 : index
    %get3A_69 = tpu.vector_load %arg8[%get3A_68] {strides = array<i32>} : memref<128xi32, #tpu.memory_space<vmem>>, vector<16xi32>,
    %mul3A_70 = arith.constant 64 : i32
    %mul3A_71 = vector.broadcast %mul3A_70 : i32 to vector<16xi32>
    %mul3A_72 = arith.muli %get3A_69, %mul3A_71 : vector<16xi32>
    %add3A_73 = arith.addi %mul3A_72, %add3A_67 : vector<16xi32>
    %gather3A_74 = tpu.vector_load_idx %arg6[%add3A_73] : memref<4096xf32, #tpu.memory_space<vmem>>[vector<16xi32>], vector<16xf32>,
    %gather3A_75 = tpu.vector_load_idx %arg7[%add3A_73] : memref<4096xf32, #tpu.memory_space<vmem>>[vector<16xi32>], vector<16xf32>,
    %max3A_76 = arith.constant 1.000000e-15 : f32
    %max3A_77 = vector.broadcast %max3A_76 : f32 to vector<16xf32>
    %max3A_78 = arith.maximumf %gather3A_75, %max3A_77 : vector<16xf32>
    %mul3A_79 = arith.mulf %max3A_78, %max3A_78 : vector<16xf32>
    %div3A_80 = arith.constant 1.000000e+00 : f32
    %div3A_81 = vector.broadcast %div3A_80 : f32 to vector<16xf32>
    %div3A_82 = arith.divf %div3A_81, %mul3A_79 : vector<16xf32>
    %mul3A_83 = arith.mulf %gather3A_74, %div3A_82 : vector<16xf32>
    %mul3A_84 = arith.constant -0.72134751 : f32
    %mul3A_85 = vector.broadcast %mul3A_84 : f32 to vector<16xf32>
    %mul3A_86 = arith.mulf %mul3A_85, %div3A_82 : vector<16xf32>
    %swap3A_87 = arith.constant 32 : index
    %swap3A_88 = tpu.vector_load %arg9[%swap3A_87] {strides = array<i32>} : memref<384xf32, #tpu.memory_space<vmem>>, vector<16xf32>,
    tpu.vector_store %arg9[%swap3A_87], %mul3A_86 {strides = array<i32>} : memref<384xf32, #tpu.memory_space<vmem>>, vector<16xf32>,
    %mul3A_89 = arith.constant 1.44269502 : f32
    %mul3A_90 = vector.broadcast %mul3A_89 : f32 to vector<16xf32>
    %mul3A_91 = arith.mulf %mul3A_90, %mul3A_83 : vector<16xf32>
    %swap3A_92 = arith.constant 96 : index
    %swap3A_93 = tpu.vector_load %arg9[%swap3A_92] {strides = array<i32>} : memref<384xf32, #tpu.memory_space<vmem>>, vector<16xf32>,
    tpu.vector_store %arg9[%swap3A_92], %mul3A_91 {strides = array<i32>} : memref<384xf32, #tpu.memory_space<vmem>>, vector<16xf32>,
    %mul3A_94 = arith.mulf %gather3A_74, %mul3A_83 : vector<16xf32>
    %add3A_95 = arith.addf %add3A_63, %mul3A_94 : vector<16xf32>
    %iota3A_96 = tpu.iota {dimensions = array<i32: 0>} : vector<16xi32>
    %add3A_97 = arith.constant 48 : i32
    %add3A_98 = vector.broadcast %add3A_97 : i32 to vector<16xi32>
    %add3A_99 = arith.addi %iota3A_96, %add3A_98 : vector<16xi32>
    %get3A_100 = arith.constant 48 : index
    %get3A_101 = tpu.vector_load %arg8[%get3A_100] {strides = array<i32>} : memref<128xi32, #tpu.memory_space<vmem>>, vector<16xi32>,
    %mul3A_102 = arith.constant 64 : i32
    %mul3A_103 = vector.broadcast %mul3A_102 : i32 to vector<16xi32>
    %mul3A_104 = arith.muli %get3A_101, %mul3A_103 : vector<16xi32>
    %add3A_105 = arith.addi %mul3A_104, %add3A_99 : vector<16xi32>
    %gather3A_106 = tpu.vector_load_idx %arg6[%add3A_105] : memref<4096xf32, #tpu.memory_space<vmem>>[vector<16xi32>], vector<16xf32>,
    %gather3A_107 = tpu.vector_load_idx %arg7[%add3A_105] : memref<4096xf32, #tpu.memory_space<vmem>>[vector<16xi32>], vector<16xf32>,
    %max3A_108 = arith.constant 1.000000e-15 : f32
    %max3A_109 = vector.broadcast %max3A_108 : f32 to vector<16xf32>
    %max3A_110 = arith.maximumf %gather3A_107, %max3A_109 : vector<16xf32>
    %mul3A_111 = arith.mulf %max3A_110, %max3A_110 : vector<16xf32>
    %div3A_112 = arith.constant 1.000000e+00 : f32
    %div3A_113 = vector.broadcast %div3A_112 : f32 to vector<16xf32>
    %div3A_114 = arith.divf %div3A_113, %mul3A_111 : vector<16xf32>
    %mul3A_115 = arith.mulf %gather3A_106, %div3A_114 : vector<16xf32>
    %mul3A_116 = arith.constant -0.72134751 : f32
    %mul3A_117 = vector.broadcast %mul3A_116 : f32 to vector<16xf32>
    %mul3A_118 = arith.mulf %mul3A_117, %div3A_114 : vector<16xf32>
    %swap3A_119 = arith.constant 48 : index
    %swap3A_120 = tpu.vector_load %arg9[%swap3A_119] {strides = array<i32>} : memref<384xf32, #tpu.memory_space<vmem>>, vector<16xf32>,
    tpu.vector_store %arg9[%swap3A_119], %mul3A_118 {strides = array<i32>} : memref<384xf32, #tpu.memory_space<vmem>>, vector<16xf32>,
    %mul3A_121 = arith.constant 1.44269502 : f32
    %mul3A_122 = vector.broadcast %mul3A_121 : f32 to vector<16xf32>
    %mul3A_123 = arith.mulf %mul3A_122, %mul3A_115 : vector<16xf32>
    %swap3A_124 = arith.constant 112 : index
    %swap3A_125 = tpu.vector_load %arg9[%swap3A_124] {strides = array<i32>} : memref<384xf32, #tpu.memory_space<vmem>>, vector<16xf32>,
    tpu.vector_store %arg9[%swap3A_124], %mul3A_123 {strides = array<i32>} : memref<384xf32, #tpu.memory_space<vmem>>, vector<16xf32>,
    %mul3A_126 = arith.mulf %gather3A_106, %mul3A_115 : vector<16xf32>
    %add3A_127 = arith.addf %add3A_95, %mul3A_126 : vector<16xf32>
    %mul3A_128 = arith.constant -0.180336878 : f32
    %mul3A_129 = vector.broadcast %mul3A_128 : f32 to vector<16xf32>
    %mul3A_130 = arith.mulf %mul3A_129, %add3A_127 : vector<16xf32>
    %swap3A_131 = arith.constant 128 : index
    %swap3A_132 = tpu.vector_load %arg9[%swap3A_131] {strides = array<i32>} : memref<384xf32, #tpu.memory_space<vmem>>, vector<16xf32>,
    tpu.vector_store %arg9[%swap3A_131], %mul3A_130 {strides = array<i32>} : memref<384xf32, #tpu.memory_space<vmem>>, vector<16xf32>,
    %swap3A_133 = arith.constant 144 : index
    %swap3A_134 = tpu.vector_load %arg9[%swap3A_133] {strides = array<i32>} : memref<384xf32, #tpu.memory_space<vmem>>, vector<16xf32>,
    tpu.vector_store %arg9[%swap3A_133], %mul3A_130 {strides = array<i32>} : memref<384xf32, #tpu.memory_space<vmem>>, vector<16xf32>,
    %swap3A_135 = arith.constant 160 : index
    %swap3A_136 = tpu.vector_load %arg9[%swap3A_135] {strides = array<i32>} : memref<384xf32, #tpu.memory_space<vmem>>, vector<16xf32>,
    tpu.vector_store %arg9[%swap3A_135], %mul3A_130 {strides = array<i32>} : memref<384xf32, #tpu.memory_space<vmem>>, vector<16xf32>,
    %swap3A_137 = arith.constant 176 : index
    %swap3A_138 = tpu.vector_load %arg9[%swap3A_137] {strides = array<i32>} : memref<384xf32, #tpu.memory_space<vmem>>, vector<16xf32>,
    tpu.vector_store %arg9[%swap3A_137], %mul3A_130 {strides = array<i32>} : memref<384xf32, #tpu.memory_space<vmem>>, vector<16xf32>,
    %broadcast_in_dim3A_139 = arith.constant 0.000000e+00 : f32
    %broadcast_in_dim3A_140 = vector.broadcast %broadcast_in_dim3A_139 : f32 to vector<16xf32>
    %iota3A_141 = tpu.iota {dimensions = array<i32: 0>} : vector<16xi32>
    %add3A_142 = arith.constant 0 : i32
    %add3A_143 = vector.broadcast %add3A_142 : i32 to vector<16xi32>
    %add3A_144 = arith.addi %iota3A_141, %add3A_143 : vector<16xi32>
    %get3A_145 = arith.constant 64 : index
    %get3A_146 = tpu.vector_load %arg8[%get3A_145] {strides = array<i32>} : memref<128xi32, #tpu.memory_space<vmem>>, vector<16xi32>,
    %mul3A_147 = arith.constant 64 : i32
    %mul3A_148 = vector.broadcast %mul3A_147 : i32 to vector<16xi32>
    %mul3A_149 = arith.muli %get3A_146, %mul3A_148 : vector<16xi32>
    %add3A_150 = arith.addi %mul3A_149, %add3A_144 : vector<16xi32>
    %gather3A_151 = tpu.vector_load_idx %arg6[%add3A_150] : memref<4096xf32, #tpu.memory_space<vmem>>[vector<16xi32>], vector<16xf32>,
    %gather3A_152 = tpu.vector_load_idx %arg7[%add3A_150] : memref<4096xf32, #tpu.memory_space<vmem>>[vector<16xi32>], vector<16xf32>,
    %max3A_153 = arith.constant 1.000000e-15 : f32
    %max3A_154 = vector.broadcast %max3A_153 : f32 to vector<16xf32>
    %max3A_155 = arith.maximumf %gather3A_152, %max3A_154 : vector<16xf32>
    %mul3A_156 = arith.mulf %max3A_155, %max3A_155 : vector<16xf32>
    %div3A_157 = arith.constant 1.000000e+00 : f32
    %div3A_158 = vector.broadcast %div3A_157 : f32 to vector<16xf32>
    %div3A_159 = arith.divf %div3A_158, %mul3A_156 : vector<16xf32>
    %mul3A_160 = arith.mulf %gather3A_151, %div3A_159 : vector<16xf32>
    %mul3A_161 = arith.constant -0.72134751 : f32
    %mul3A_162 = vector.broadcast %mul3A_161 : f32 to vector<16xf32>
    %mul3A_163 = arith.mulf %mul3A_162, %div3A_159 : vector<16xf32>
    %swap3A_164 = arith.constant 192 : index
    %swap3A_165 = tpu.vector_load %arg9[%swap3A_164] {strides = array<i32>} : memref<384xf32, #tpu.memory_space<vmem>>, vector<16xf32>,
    tpu.vector_store %arg9[%swap3A_164], %mul3A_163 {strides = array<i32>} : memref<384xf32, #tpu.memory_space<vmem>>, vector<16xf32>,
    %mul3A_166 = arith.constant 1.44269502 : f32
    %mul3A_167 = vector.broadcast %mul3A_166 : f32 to vector<16xf32>
    %mul3A_168 = arith.mulf %mul3A_167, %mul3A_160 : vector<16xf32>
    %swap3A_169 = arith.constant 256 : index
    %swap3A_170 = tpu.vector_load %arg9[%swap3A_169] {strides = array<i32>} : memref<384xf32, #tpu.memory_space<vmem>>, vector<16xf32>,
    tpu.vector_store %arg9[%swap3A_169], %mul3A_168 {strides = array<i32>} : memref<384xf32, #tpu.memory_space<vmem>>, vector<16xf32>,
    %mul3A_171 = arith.mulf %gather3A_151, %mul3A_160 : vector<16xf32>
    %add3A_172 = arith.addf %broadcast_in_dim3A_140, %mul3A_171 : vector<16xf32>
    %iota3A_173 = tpu.iota {dimensions = array<i32: 0>} : vector<16xi32>
    %add3A_174 = arith.constant 16 : i32
    %add3A_175 = vector.broadcast %add3A_174 : i32 to vector<16xi32>
    %add3A_176 = arith.addi %iota3A_173, %add3A_175 : vector<16xi32>
    %get3A_177 = arith.constant 80 : index
    %get3A_178 = tpu.vector_load %arg8[%get3A_177] {strides = array<i32>} : memref<128xi32, #tpu.memory_space<vmem>>, vector<16xi32>,
    %mul3A_179 = arith.constant 64 : i32
    %mul3A_180 = vector.broadcast %mul3A_179 : i32 to vector<16xi32>
    %mul3A_181 = arith.muli %get3A_178, %mul3A_180 : vector<16xi32>
    %add3A_182 = arith.addi %mul3A_181, %add3A_176 : vector<16xi32>
    %gather3A_183 = tpu.vector_load_idx %arg6[%add3A_182] : memref<4096xf32, #tpu.memory_space<vmem>>[vector<16xi32>], vector<16xf32>,
    %gather3A_184 = tpu.vector_load_idx %arg7[%add3A_182] : memref<4096xf32, #tpu.memory_space<vmem>>[vector<16xi32>], vector<16xf32>,
    %max3A_185 = arith.constant 1.000000e-15 : f32
    %max3A_186 = vector.broadcast %max3A_185 : f32 to vector<16xf32>
    %max3A_187 = arith.maximumf %gather3A_184, %max3A_186 : vector<16xf32>
    %mul3A_188 = arith.mulf %max3A_187, %max3A_187 : vector<16xf32>
    %div3A_189 = arith.constant 1.000000e+00 : f32
    %div3A_190 = vector.broadcast %div3A_189 : f32 to vector<16xf32>
    %div3A_191 = arith.divf %div3A_190, %mul3A_188 : vector<16xf32>
    %mul3A_192 = arith.mulf %gather3A_183, %div3A_191 : vector<16xf32>
    %mul3A_193 = arith.constant -0.72134751 : f32
    %mul3A_194 = vector.broadcast %mul3A_193 : f32 to vector<16xf32>
    %mul3A_195 = arith.mulf %mul3A_194, %div3A_191 : vector<16xf32>
    %swap3A_196 = arith.constant 208 : index
    %swap3A_197 = tpu.vector_load %arg9[%swap3A_196] {strides = array<i32>} : memref<384xf32, #tpu.memory_space<vmem>>, vector<16xf32>,
    tpu.vector_store %arg9[%swap3A_196], %mul3A_195 {strides = array<i32>} : memref<384xf32, #tpu.memory_space<vmem>>, vector<16xf32>,
    %mul3A_198 = arith.constant 1.44269502 : f32
    %mul3A_199 = vector.broadcast %mul3A_198 : f32 to vector<16xf32>
    %mul3A_200 = arith.mulf %mul3A_199, %mul3A_192 : vector<16xf32>
    %swap3A_201 = arith.constant 272 : index
    %swap3A_202 = tpu.vector_load %arg9[%swap3A_201] {strides = array<i32>} : memref<384xf32, #tpu.memory_space<vmem>>, vector<16xf32>,
    tpu.vector_store %arg9[%swap3A_201], %mul3A_200 {strides = array<i32>} : memref<384xf32, #tpu.memory_space<vmem>>, vector<16xf32>,
    %mul3A_203 = arith.mulf %gather3A_183, %mul3A_192 : vector<16xf32>
    %add3A_204 = arith.addf %add3A_172, %mul3A_203 : vector<16xf32>
    %iota3A_205 = tpu.iota {dimensions = array<i32: 0>} : vector<16xi32>
    %add3A_206 = arith.constant 32 : i32
    %add3A_207 = vector.broadcast %add3A_206 : i32 to vector<16xi32>
    %add3A_208 = arith.addi %iota3A_205, %add3A_207 : vector<16xi32>
    %get3A_209 = arith.constant 96 : index
    %get3A_210 = tpu.vector_load %arg8[%get3A_209] {strides = array<i32>} : memref<128xi32, #tpu.memory_space<vmem>>, vector<16xi32>,
    %mul3A_211 = arith.constant 64 : i32
    %mul3A_212 = vector.broadcast %mul3A_211 : i32 to vector<16xi32>
    %mul3A_213 = arith.muli %get3A_210, %mul3A_212 : vector<16xi32>
    %add3A_214 = arith.addi %mul3A_213, %add3A_208 : vector<16xi32>
    %gather3A_215 = tpu.vector_load_idx %arg6[%add3A_214] : memref<4096xf32, #tpu.memory_space<vmem>>[vector<16xi32>], vector<16xf32>,
    %gather3A_216 = tpu.vector_load_idx %arg7[%add3A_214] : memref<4096xf32, #tpu.memory_space<vmem>>[vector<16xi32>], vector<16xf32>,
    %max3A_217 = arith.constant 1.000000e-15 : f32
    %max3A_218 = vector.broadcast %max3A_217 : f32 to vector<16xf32>
    %max3A_219 = arith.maximumf %gather3A_216, %max3A_218 : vector<16xf32>
    %mul3A_220 = arith.mulf %max3A_219, %max3A_219 : vector<16xf32>
    %div3A_221 = arith.constant 1.000000e+00 : f32
    %div3A_222 = vector.broadcast %div3A_221 : f32 to vector<16xf32>
    %div3A_223 = arith.divf %div3A_222, %mul3A_220 : vector<16xf32>
    %mul3A_224 = arith.mulf %gather3A_215, %div3A_223 : vector<16xf32>
    %mul3A_225 = arith.constant -0.72134751 : f32
    %mul3A_226 = vector.broadcast %mul3A_225 : f32 to vector<16xf32>
    %mul3A_227 = arith.mulf %mul3A_226, %div3A_223 : vector<16xf32>
    %swap3A_228 = arith.constant 224 : index
    %swap3A_229 = tpu.vector_load %arg9[%swap3A_228] {strides = array<i32>} : memref<384xf32, #tpu.memory_space<vmem>>, vector<16xf32>,
    tpu.vector_store %arg9[%swap3A_228], %mul3A_227 {strides = array<i32>} : memref<384xf32, #tpu.memory_space<vmem>>, vector<16xf32>,
    %mul3A_230 = arith.constant 1.44269502 : f32
    %mul3A_231 = vector.broadcast %mul3A_230 : f32 to vector<16xf32>
    %mul3A_232 = arith.mulf %mul3A_231, %mul3A_224 : vector<16xf32>
    %swap3A_233 = arith.constant 288 : index
    %swap3A_234 = tpu.vector_load %arg9[%swap3A_233] {strides = array<i32>} : memref<384xf32, #tpu.memory_space<vmem>>, vector<16xf32>,
    tpu.vector_store %arg9[%swap3A_233], %mul3A_232 {strides = array<i32>} : memref<384xf32, #tpu.memory_space<vmem>>, vector<16xf32>,
    %mul3A_235 = arith.mulf %gather3A_215, %mul3A_224 : vector<16xf32>
    %add3A_236 = arith.addf %add3A_204, %mul3A_235 : vector<16xf32>
    %iota3A_237 = tpu.iota {dimensions = array<i32: 0>} : vector<16xi32>
    %add3A_238 = arith.constant 48 : i32
    %add3A_239 = vector.broadcast %add3A_238 : i32 to vector<16xi32>
    %add3A_240 = arith.addi %iota3A_237, %add3A_239 : vector<16xi32>
    %get3A_241 = arith.constant 112 : index
    %get3A_242 = tpu.vector_load %arg8[%get3A_241] {strides = array<i32>} : memref<128xi32, #tpu.memory_space<vmem>>, vector<16xi32>,
    %mul3A_243 = arith.constant 64 : i32
    %mul3A_244 = vector.broadcast %mul3A_243 : i32 to vector<16xi32>
    %mul3A_245 = arith.muli %get3A_242, %mul3A_244 : vector<16xi32>
    %add3A_246 = arith.addi %mul3A_245, %add3A_240 : vector<16xi32>
    %gather3A_247 = tpu.vector_load_idx %arg6[%add3A_246] : memref<4096xf32, #tpu.memory_space<vmem>>[vector<16xi32>], vector<16xf32>,
    %gather3A_248 = tpu.vector_load_idx %arg7[%add3A_246] : memref<4096xf32, #tpu.memory_space<vmem>>[vector<16xi32>], vector<16xf32>,
    %max3A_249 = arith.constant 1.000000e-15 : f32
    %max3A_250 = vector.broadcast %max3A_249 : f32 to vector<16xf32>
    %max3A_251 = arith.maximumf %gather3A_248, %max3A_250 : vector<16xf32>
    %mul3A_252 = arith.mulf %max3A_251, %max3A_251 : vector<16xf32>
    %div3A_253 = arith.constant 1.000000e+00 : f32
    %div3A_254 = vector.broadcast %div3A_253 : f32 to vector<16xf32>
    %div3A_255 = arith.divf %div3A_254, %mul3A_252 : vector<16xf32>
    %mul3A_256 = arith.mulf %gather3A_247, %div3A_255 : vector<16xf32>
    %mul3A_257 = arith.constant -0.72134751 : f32
    %mul3A_258 = vector.broadcast %mul3A_257 : f32 to vector<16xf32>
    %mul3A_259 = arith.mulf %mul3A_258, %div3A_255 : vector<16xf32>
    %swap3A_260 = arith.constant 240 : index
    %swap3A_261 = tpu.vector_load %arg9[%swap3A_260] {strides = array<i32>} : memref<384xf32, #tpu.memory_space<vmem>>, vector<16xf32>,
    tpu.vector_store %arg9[%swap3A_260], %mul3A_259 {strides = array<i32>} : memref<384xf32, #tpu.memory_space<vmem>>, vector<16xf32>,
    %mul3A_262 = arith.constant 1.44269502 : f32
    %mul3A_263 = vector.broadcast %mul3A_262 : f32 to vector<16xf32>
    %mul3A_264 = arith.mulf %mul3A_263, %mul3A_256 : vector<16xf32>
    %swap3A_265 = arith.constant 304 : index
    %swap3A_266 = tpu.vector_load %arg9[%swap3A_265] {strides = array<i32>} : memref<384xf32, #tpu.memory_space<vmem>>, vector<16xf32>,
    tpu.vector_store %arg9[%swap3A_265], %mul3A_264 {strides = array<i32>} : memref<384xf32, #tpu.memory_space<vmem>>, vector<16xf32>,
    %mul3A_267 = arith.mulf %gather3A_247, %mul3A_256 : vector<16xf32>
    %add3A_268 = arith.addf %add3A_236, %mul3A_267 : vector<16xf32>
    %mul3A_269 = arith.constant -0.180336878 : f32
    %mul3A_270 = vector.broadcast %mul3A_269 : f32 to vector<16xf32>
    %mul3A_271 = arith.mulf %mul3A_270, %add3A_268 : vector<16xf32>
    %swap3A_272 = arith.constant 320 : index
    %swap3A_273 = tpu.vector_load %arg9[%swap3A_272] {strides = array<i32>} : memref<384xf32, #tpu.memory_space<vmem>>, vector<16xf32>,
    tpu.vector_store %arg9[%swap3A_272], %mul3A_271 {strides = array<i32>} : memref<384xf32, #tpu.memory_space<vmem>>, vector<16xf32>,
    %swap3A_274 = arith.constant 336 : index
    %swap3A_275 = tpu.vector_load %arg9[%swap3A_274] {strides = array<i32>} : memref<384xf32, #tpu.memory_space<vmem>>, vector<16xf32>,
    tpu.vector_store %arg9[%swap3A_274], %mul3A_271 {strides = array<i32>} : memref<384xf32, #tpu.memory_space<vmem>>, vector<16xf32>,
    %swap3A_276 = arith.constant 352 : index
    %swap3A_277 = tpu.vector_load %arg9[%swap3A_276] {strides = array<i32>} : memref<384xf32, #tpu.memory_space<vmem>>, vector<16xf32>,
    tpu.vector_store %arg9[%swap3A_276], %mul3A_271 {strides = array<i32>} : memref<384xf32, #tpu.memory_space<vmem>>, vector<16xf32>,
    %swap3A_278 = arith.constant 368 : index
    %swap3A_279 = tpu.vector_load %arg9[%swap3A_278] {strides = array<i32>} : memref<384xf32, #tpu.memory_space<vmem>>, vector<16xf32>,
    tpu.vector_store %arg9[%swap3A_278], %mul3A_271 {strides = array<i32>} : memref<384xf32, #tpu.memory_space<vmem>>, vector<16xf32>,
    %mul3A_280 = arith.constant 192 : i32
    %mul3A_281 = arith.muli %mul3A_2, %mul3A_280 : i32
    "tpu.region"() ({
      %run_scoped3A = tpu.sem_alloc : memref<!tpu.dma_semaphore, #tpu.memory_space<semaphore_mem>>
      %dma_start3A = tpu.memref_slice %arg5[%mul3A_281] : memref<12288xf32, #tpu.memory_space<hbm>> -> memref<384xf32, #tpu.memory_space<hbm>>
      %dma_start3A_282 = tpu.memref_slice %arg5[%mul3A_281] : memref<12288xf32, #tpu.memory_space<hbm>> -> memref<384xf32, #tpu.memory_space<hbm>>
      tpu.enqueue_dma source(%arg9 : memref<384xf32, #tpu.memory_space<vmem>>) target(%dma_start3A_282 : memref<384xf32, #tpu.memory_space<hbm>>) target_semaphore(%run_scoped3A : memref<!tpu.dma_semaphore, #tpu.memory_space<semaphore_mem>>)
      %dma_wait3A = tpu.memref_slice %arg5[%mul3A_281] : memref<12288xf32, #tpu.memory_space<hbm>> -> memref<384xf32, #tpu.memory_space<hbm>>
      %dma_wait3A_283 = tpu.memref_slice %arg5[%mul3A_281] : memref<12288xf32, #tpu.memory_space<hbm>> -> memref<384xf32, #tpu.memory_space<hbm>>
      tpu.wait_dma2 semaphore(%run_scoped3A : memref<!tpu.dma_semaphore, #tpu.memory_space<semaphore_mem>>) src(%arg9 : memref<384xf32, #tpu.memory_space<vmem>>) dst(%dma_wait3A_283 : memref<384xf32, #tpu.memory_space<hbm>>)
      tpu.yield
    }) : () -> ()
    return
  }
}

module attributes {stable_mosaic.version = 14 : i64} {
  func.func @_tc_body(%arg0: i32, %arg1: memref<4096x64xf32, #tpu.memory_space<vmem>>, %arg2: memref<64x192xf32, #tpu.memory_space<vmem>>, %arg3: memref<4096x64xf32, #tpu.memory_space<vmem>>) attributes {dimension_semantics = [#tpu.dimension_semantics<arbitrary>], iteration_bounds = array<i64: 2>, scalar_prefetch = 0 : i64, scratch_operands = 0 : i64, tpu.core_type = #tpu.core_type<tc>, window_params = [{transform_indices = @transform_0, window_bounds = array<i64: 4096, 64>}, {pipeline_mode = #tpu.pipeline_mode<synchronous>, transform_indices = @transform_1, window_bounds = array<i64: 64, 192>}, {transform_indices = @transform_2, window_bounds = array<i64: 4096, 64>}]} {
    %get3A = arith.constant 0 : index
    %get3A_0 = arith.constant 0 : index
    %get3A_1 = vector.load %arg1[%get3A, %get3A_0] : memref<4096x64xf32, #tpu.memory_space<vmem>>, vector<4096x64xf32>
    %mul3A = arith.mulf %get3A_1, %get3A_1 : vector<4096x64xf32>
    %broadcast_in_dim3A = arith.constant 1.000000e+00 : f32
    %broadcast_in_dim3A_2 = vector.broadcast %broadcast_in_dim3A : f32 to vector<4096x64xf32>
    %concatenate3A = tpu.concatenate %mul3A, %get3A_1, %broadcast_in_dim3A_2 in 1 : vector<4096x64xf32>, vector<4096x64xf32>, vector<4096x64xf32> -> vector<4096x192xf32>
    %get3A_3 = arith.constant 0 : index
    %get3A_4 = arith.constant 0 : index
    %get3A_5 = vector.load %arg2[%get3A_3, %get3A_4] : memref<64x192xf32, #tpu.memory_space<vmem>>, vector<64x192xf32>
    %dot_general3A = arith.constant dense<0.000000e+00> : vector<4096x64xf32>
    %dot_general3A_6 = tpu.matmul %concatenate3A, %get3A_5, %dot_general3A {dimension_numbers = #tpu.dot_dimension_numbers<[1], [1], [0], [0], [0, 0, 1, 0], [], []>, precision = #tpu.contract_precision<fp32>, transpose_lhs_hint = false} : vector<4096x192xf32>, vector<64x192xf32>, vector<4096x64xf32> -> vector<4096x64xf32>
    %min3A = arith.constant 0.000000e+00 : f32
    %min3A_7 = vector.broadcast %min3A : f32 to vector<4096x64xf32>
    %min3A_8 = arith.minimumf %dot_general3A_6, %min3A_7 : vector<4096x64xf32>
    %exp23A = math.exp2 %min3A_8 : vector<4096x64xf32>
    %swap3A = arith.constant 0 : index
    %swap3A_9 = arith.constant 0 : index
    %swap3A_10 = vector.load %arg3[%swap3A, %swap3A_9] : memref<4096x64xf32, #tpu.memory_space<vmem>>, vector<4096x64xf32>
    tpu.vector_store %arg3[%swap3A, %swap3A_9], %exp23A {strides = array<i32>} : memref<4096x64xf32, #tpu.memory_space<vmem>>, vector<4096x64xf32>,
    return
  }
  func.func @transform_0(%arg0: i32) -> (i32, i32) {
    %c0_i32 = arith.constant 0 : i32
    %c0_i32_0 = arith.constant 0 : i32
    return %arg0, %c0_i32 : i32, i32
  }
  func.func @transform_1(%arg0: i32) -> (i32, i32) {
    %c0_i32 = arith.constant 0 : i32
    %c0_i32_0 = arith.constant 0 : i32
    %c0_i32_1 = arith.constant 0 : i32
    return %c0_i32, %c0_i32_0 : i32, i32
  }
  func.func @transform_2(%arg0: i32) -> (i32, i32) {
    %c0_i32 = arith.constant 0 : i32
    %c0_i32_0 = arith.constant 0 : i32
    return %arg0, %c0_i32 : i32, i32
  }
}

</mosaic_0001>

<sc_bundles>
// kernel: kernel.4.cloned.1.call-start
scs
__scs_entry_jumppad:
0x0: {  	(pc) =	sbr.rel $0x88, $3  }
0x1: {  	(tag) =	ssettag $0x0;
	lr =	simm.s32 $0x1  }
0x2: {  	[smem:$0x3F9D] =	sst lr;
	_ =	strace $0xD0000000  }
0x3: {  	_ = 	snop  }
0x4: {  	_ = 	snop  }
0x5: {  	_ = 	snop  }
0x6: {  	_ = 	snop  }
0x7: {  	_ = 	snop  }
__scs_overlays_trampoline_lowered:
0x8: {  	[smem:$0x3FAC] =	sst s0  }
0x9: {  	[smem:$0x3FAD] =	sst s1  }
0xa: {  	[smem:$0x3FAE] =	sst s2  }
0xb: {  	[smem:$0x3FAF] =	sst s3  }
0xc: {  	[smem:$0x3FB0] =	sst s4  }
0xd: {  	[smem:$0x3FB1] =	sst s5  }
0xe: {  	[smem:$0x3FB2] =	sst s6  }
0xf: {  	[smem:$0x3FB3] =	sst s7  }
0x10: {  	[smem:$0x3FB4] =	sst s8  }
0x11: {  	[smem:$0x3FB5] =	sst s9;
	s0 =	simm.s32 @!p0 $0x0  }
0x12: {  	s1 =	sld [smem:$0x3F9B];
	s0 =	simm.s32 @p0 $0x1  }
0x13: {  	[smem:$0x3FB6] =	sst s0;
	s0 =	simm.s32 @!p1 $0x0  }
0x14: {  	s2 =	sld [smem:$0x3F9A];
	s0 =	simm.s32 @p1 $0x1  }
0x15: {  	[smem:$0x3FB7] =	sst s0;
	s0 =	simm.s32 @!p2 $0x0  }
0x16: {  	s3 =	sld [smem:$0x3FDB];
	s0 =	simm.s32 @p2 $0x1  }
0x17: {  	s4 =	simm.s32 $0x1BF5;
	[smem:$0x3FB9] =	sst s0  }
0x18: {  	s0 =	sld [smem:$0x3F9C];
	_ =	swait.ge [sflag:s4], $0x0  }
0x19: {  	s7 =	sld [smem:$0x3F9D]  }
0x1a: {  	s8 =	sadd.s32 $0xFFFFE003, lr  }
0x1b: {  	s9 =	sadd.s32 $0xFFFFFEF7, lr;
	s5 =	simm.s32 $0xFFFFFFFF;
	p2 =	slt.u32 s8, $0xFFFFF086  }
0x1c: {  	p1 =	slt.u32 s9, $0xF7A;
	s5 =	simm.s32 @!p2 $0x0  }
0x1d: {  	s5 =	simm.s32 @p1 $0x1;
	p0 =	seq.s32 s7, s2  }
0x1e: {  	s7 =	smul.u32 @!p0 $0xF7A, s2;
	p2 =	seq.s32 @!p0 s5, $0x0  }
0x1f: {  	s9 =	smul.u32 $0xF7A, s1;
	s8 =	simm.s32 @!p0 $0x1BF5;
	p2 =	por !p2, p0  }
0x20: {  	[sflag:s8] =	ssyncset.s32 @!p0 $0xFFFFF086;
	s6 =	sadd.s32 @!p0 s3, s7;
	s7 =	simm.s32 @!p0 $0x108  }
0x21: {  	s3 =	sadd.s32 s3, s9;
	s6 =	sadd.s32 @!p0 $0x88, s6;
	s7 =	simm.s32 @p2 $0x1082  }
0x22: {  	[simem:s7], [sflag:s8] =	dma.local @!p0 [hbm:s6], $0xF7A  }
0x23: {  	s9 =	sor.u32 $0xD0000000, s2;
	s6 =	simm.s32 $0x108;
	_ =	swait.ge @!p0 [sflag:s8], $0x0  }
0x24: {  	s3 =	sadd.s32 $0x88, s3;
	s6 =	simm.s32 @!p1 $0x1082;
	[sflag:s4] =	ssyncset.s32 $0xFFFFF086  }
0x25: {  	[simem:s6], [sflag:s4] =	dma.local [hbm:s3], $0xF7A  }
0x26: {  	[smem:$0x3F9D] =	sst s1;
	(tag) =	ssettag s2;
	_ =	strace s9  }
0x27: {  	s1 =	sld [smem:$0x3FAD]  }
0x28: {  	s2 =	sld [smem:$0x3FAE]  }
0x29: {  	s4 =	sld [smem:$0x3FB0]  }
0x2a: {  	p0 =	seq.s32 s5, $0x0;
	s5 =	sld [smem:$0x3FB1]  }
0x2b: {  	s6 =	sld [smem:$0x3FB2]  }
0x2c: {  	s7 =	sld [smem:$0x3FB3]  }
0x2d: {  	s3 =	simm.s32 $0x108;
	s8 =	sld [smem:$0x3FB4]  }
0x2e: {  	s3 =	simm.s32 @!p0 $0x1082;
	s9 =	sld [smem:$0x3FB5]  }
0x2f: {  	lr =	sadd.s32 s0, s3;
	s0 =	sld [smem:$0x3FAC]  }
0x30: {  	s3 =	sld [smem:$0x3FAF]  }
0x31: {  	[smem:$0x3FB8] =	sst s10  }
0x32: {  	s10 =	sld [smem:$0x3FB6];
	_ =	sdelay $0x3  }
0x33: {  	p0 =	seq.s32 s10, $0x1;
	s10 =	sld [smem:$0x3FB8];
	_ =	sdelay $0x3  }
0x34: {  	[smem:$0x3FB8] =	sst s10  }
0x35: {  	s10 =	sld [smem:$0x3FB7];
	_ =	sdelay $0x3  }
0x36: {  	p1 =	seq.s32 s10, $0x1;
	s10 =	sld [smem:$0x3FB8];
	_ =	sdelay $0x3  }
0x37: {  	[smem:$0x3FB8] =	sst s10  }
0x38: {  	s10 =	sld [smem:$0x3FB9]  }
0x39: {  	_ = 	snop;
	(pc) =	sbr.ind lr, $3  }
0x3a: {  	_ = 	snop  }
0x3b: {  	_ = 	snop  }
0x3c: {  	p2 =	seq.s32 s10, $0x1;
	s10 =	sld [smem:$0x3FB8]  }
0x3d: {  	_ =	shalt  }
0x3e: {  	_ =	shalt  }
0x3f: {  	_ =	shalt  }
0x40: {  	_ =	shalt  }
0x41: {  	_ =	shalt  }
0x42: {  	_ =	shalt  }
0x43: {  	_ =	shalt  }
0x44: {  	_ =	shalt  }
0x45: {  	_ =	shalt  }
0x46: {  	_ =	shalt  }
0x47: {  	_ =	shalt  }
0x48: {  	_ =	shalt  }
0x49: {  	_ =	shalt  }
0x4a: {  	_ =	shalt  }
0x4b: {  	_ =	shalt  }
0x4c: {  	_ =	shalt  }
0x4d: {  	_ =	shalt  }
0x4e: {  	_ =	shalt  }
0x4f: {  	_ =	shalt  }
0x50: {  	_ =	shalt  }
0x51: {  	_ =	shalt  }
0x52: {  	_ =	shalt  }
0x53: {  	_ =	shalt  }
0x54: {  	_ =	shalt  }
0x55: {  	_ =	shalt  }
0x56: {  	_ =	shalt  }
0x57: {  	_ =	shalt  }
0x58: {  	_ =	shalt  }
0x59: {  	_ =	shalt  }
0x5a: {  	_ =	shalt  }
0x5b: {  	_ =	shalt  }
0x5c: {  	_ =	shalt  }
0x5d: {  	_ =	shalt  }
0x5e: {  	_ =	shalt  }
0x5f: {  	_ =	shalt  }
0x60: {  	_ =	shalt  }
0x61: {  	_ =	shalt  }
0x62: {  	_ =	shalt  }
0x63: {  	_ =	shalt  }
0x64: {  	_ =	shalt  }
0x65: {  	_ =	shalt  }
0x66: {  	_ =	shalt  }
0x67: {  	_ =	shalt  }
0x68: {  	_ =	shalt  }
0x69: {  	_ =	shalt  }
0x6a: {  	_ =	shalt  }
0x6b: {  	_ =	shalt  }
0x6c: {  	_ =	shalt  }
0x6d: {  	_ =	shalt  }
0x6e: {  	_ =	shalt  }
0x6f: {  	_ =	shalt  }
0x70: {  	_ =	shalt  }
0x71: {  	_ =	shalt  }
0x72: {  	_ =	shalt  }
0x73: {  	_ =	shalt  }
0x74: {  	_ =	shalt  }
0x75: {  	_ =	shalt  }
0x76: {  	_ =	shalt  }
0x77: {  	_ =	shalt  }
0x78: {  	_ =	shalt  }
0x79: {  	_ =	shalt  }
0x7a: {  	_ =	shalt  }
0x7b: {  	_ =	shalt  }
0x7c: {  	_ =	shalt  }
0x7d: {  	_ =	shalt  }
0x7e: {  	_ =	shalt  }
0x7f: {  	_ =	shalt  }
0x80: {  	_ =	shalt  }
0x81: {  	_ =	shalt  }
0x82: {  	_ =	shalt  }
0x83: {  	_ =	shalt  }
0x84: {  	_ =	shalt  }
0x85: {  	_ =	shalt  }
0x86: {  	_ =	shalt  }
0x87: {  	_ =	shalt  }
.Lfunc_end0:
.L_simem_size_0:
called_computation_lowered:
.L_overlay_start_0:
0x88: {  	s2 =	sld [smem:$0x3FD9]  }
0x89: {  	s3 =	sld [smem:$0x3FFE];
	_ =	sdelay $0x1  }
0x8a: {  	s1 =	srdreg.scid  }
0x8b: {  	s0 =	sand.u32 $0x1, s1  }
0x8c: {  	s17 =	sshll.u32 s0, $0xA;
	s2 =	sadd.s32 s3, s2  }
0x8d: {  	s2 =	sadd.s32 s2, s17  }
0x8e: {  	[smem:$0x3FC4] =	sst s2  }
0x8f: {  	_ = 	snop  }
0x90: {  	s2 =	sld [smem:$0x3FD0];
	(tm) =	ssettm $0x1  }
0x91: {  	s18 =	sld [smem:$0x3FFB];
	_ =	sdelay $0x3  }
0x92: {  	_ =	strace s18  }
0x93: {  	s3 =	sld [smem:$0x3FFC];
	_ =	sdelay $0x3  }
0x94: {  	_ =	strace s3  }
0x95: {  	s3 =	sld [smem:$0x3FFD];
	_ =	sdelay $0x3  }
0x96: {  	_ =	strace s3  }
0x97: {  	_ =	strace $0x8FFFFFFF  }
0x98: {  	s19 =	sld [smem:$0x3FDB];
	_ =	sdelay $0x1  }
0x99: {  	s4 =	simm.s32 $_scs_section_size  }
0x9a: {  	s5 =	simm.s32 $_size__tile_overlayer_lowered;
	s6 =	simm.s32 $_tile_overlayer_lowered  }
0x9b: {  	s22 =	simm.s32 $0x1BFF;
	s21 =	sshll.u32 s6, $0x1;
	s3 =	sadd.s32 s4, s19  }
0x9c: {  	s7 =	simm.s32 $0x0;
	s20 =	sshll.u32 s5, $0x1;
	s5 =	sadd.s32 s21, s3  }
0x9d: {  	[timem:s7], [sflag:s22] =	dma.local [hbm:s5], s20  }
0x9e: {  	_ =	swait.ge [sflag:s22], s20  }
0x9f: {  	s4 =	ssub.s32 $0x0, s20;
	[sflag:s22] =	ssyncset.done $0x0  }
0xa0: {  	[sflag:s22] =	ssyncadd.s32 s4;
	_ =	sdelay $0x1  }
0xa1: {  	s23 =	simm.s32 $0x1B8B  }
0xa2: {  	_ =	swait.ge [sflag:s23], $0x1  }
0xa3: {  	[sflag:s23] =	ssyncset.done $0x0  }
0xa4: {  	s25 =	simm.s32 $0x1B8E;
	s24 =	sld [smem:$0x3FFE];
	[sflag:s23] =	ssyncadd.s32 $0xFFFFFFFF  }
0xa5: {  	s26 =	simm.s32 $execute0_lowered;
	[smem:$0x3FD2] =	sst s25  }
0xa6: {  	s5 =	sshll.u32 s26, $0x1;
	_ =	strace $0x80000046;
	[dreg:$0x1] =	wrdreg $0xFFFFFFFF  }
0xa7: {  	s28 =	simm.s32 $_size_execute0_lowered;
	s3 =	sadd.s32 s3, s5;
	[dreg:$0x0] =	wrdreg $0x0  }
0xa8: {  	s5 =	sshll.u32 s28, $0x1;
	[dreg:$0x2] =	wrdreg s3  }
0xa9: {  	[dreg:$0x3] =	wrdreg s5  }
0xaa: {  	[dreg:$0x4] =	wrdreg $0xC0  }
0xab: {  	_ =	task [dreg:s7], $0x5FFFF  }
0xac: {  	[dreg:$0x1] =	wrdreg $0xFFFFFFFF  }
0xad: {  	[dreg:$0x0] =	wrdreg $0x60  }
0xae: {  	[dreg:$0x2] =	wrdreg s24  }
0xaf: {  	[dreg:$0x3] =	wrdreg s2  }
0xb0: {  	[dreg:$0x4] =	wrdreg $0x9  }
0xb1: {  	_ =	task.clear_ibuf [dreg:s7], $0x5FFFF;
	_ =	strace $0x90000046  }
0xb2: {  	s29 =	simm.s32 $0x9;
	_ =	strace $0x80000048  }
0xb3: {  	_ =	swait.ge [sflag:s29], $0x1  }
0xb4: {  	[sflag:s29] =	ssyncadd.s32 $0xFFFFFFFF  }
0xb5: {  	_ =	strace $0x90000048  }
0xb6: {  	_ =	sfence  }
0xb7: {  	s30 =	sld [smem:$0x0];
	_ =	sdelay $0x2  }
0xb8: {  	s31 =	sshll.u32 s1, $0xD;
	s1 =	sshrl.u32 s1, $0x2  }
0xb9: {  	s3 =	sand.u32 $0x4000, s31;
	s1 =	sadd.s32 s1, s30  }
0xba: {  	s0 =	sor.u32 s3, s0;
	s1 =	sshll.u32 s1, $0x11  }
0xbb: {  	s0 =	sor.u32 s1, s0  }
0xbc: {  	s0 =	sadd.s32 $0x8F2B, s0  }
0xbd: {  	[sflag:s0] =	ssyncadd.remote.s32 $0x1  }
0xbe: {  	_ =	sfence.sel $0xFFFF  }
0xbf: {  	[dreg:$0x0] =	wrdreg $0xFFFFFFFF;
	(pc) =	sbr.abs _section_cstart, $3  }
0xc0: {  	[dreg:$0x1] =	wrdreg $0xFFFFFFFF  }
0xc1: {  	_ =	task.clear_ibuf [dreg:s7], $0x2FFFF;
	_ =	strace $0x9FFFFFFF  }
0xc2: {  	(tm) =	ssettm $0x7FFFFFFF  }
0xc3: {  	_ =	shalt  }
tec
execute0_lowered:
.L_overlay_start_1:
0x0: {  	(tag) =	ssettag $0x1  }
0x1: {  	s7 =	rddreg [dreg:$0x0]  }
0x2: {  	s9 =	rddreg [dreg:$0x1]  }
0x3: {  	s0 =	rddreg [dreg:$0x2];
	s1 =	simm.s32 $0x0  }
0x4: {  	s3 =	simm.s32 $0x1;
	[smem:$0x7FF] =	sst s1  }
0x5: {  	s6 =	srdreg.scid;
	s4 =	sadd.s32 $0x400, s7;
	_ =	strace $0x80000047  }
0x6: {  	[tilespmem:s1], [sflag:$0x1] =	stream.linear.gather [hbm4b:s4+s1], $0x1000, $0x38;
	[tilespmem:$0x2200] =	vst v63  }
0x7: {  	s2 =	stileid.u32;
	s5 =	sadd.s32 $0x600, s7;
	_ =	swait.ge [sflag:s3], $0x1000  }
0x8: {  	s11 =	sand.u32 $0x1, s6;
	s31 =	sshll.u32 s2, $0x1;
	[sflag:s3] =	ssyncset.done $0x0  }
0x9: {  	s6 =	simm.s32 $0x1000;
	s10 =	sor.u32 s11, s31;
	[sflag:s3] =	ssyncadd.s32 $0xFFFFF000  }
0xa: {  	[tilespmem:s6], [sflag:$0x1] =	stream.linear.gather [hbm4b:s5+s1], $0x1000, $0x38;
	[tilespmem:$0x2200] =	vst v63  }
0xb: {  	s8 =	sshll.u32 s10, $0x4;
	_ =	swait.ge [sflag:s3], $0x1000  }
0xc: {  	s7 =	sadd.s32 s8, s7;
	[sflag:s3] =	ssyncset.done $0x0  }
0xd: {  	s8 =	simm.s32 $0x2000;
	s7 =	sadd.s32 $0x800, s7;
	[sflag:s3] =	ssyncadd.s32 $0xFFFFF000  }
0xe: {  	[tilespmem:s8], [sflag:$0x1] =	stream.linear.gather [hbm4b:s7+s1], $0x80, $0x38;
	[tilespmem:$0x2200] =	vst v63  }
0xf: {  	_ =	swait.ge [sflag:s3], $0x80  }
0x10: {  	[sflag:s3] =	ssyncset.done $0x0  }
0x11: {  	[sflag:s3] =	ssyncadd.s32 $0xFFFFFF80  }
0x12: {  	v1 =	vld [tilespmem:$0x2000];
	_ =	sdelay $0x4  }
0x13: {  	v0 =	vlaneseq.u32;
	v1 =	vshll.u32 v1, $0x6  }
0x14: {  	v1 =	vor.u32 v0, v1;
	_ =	sdelay $0x4  }
0x15: {  	v2 =	vld.idx.msk [tilespmem:v1+s6+$0x0], $0xffff;
	_ =	sdelay $0x4  }
0x16: {  	v2 =	vmax.f32 v2, $1.000000000e-15  }
0x17: {  	v2 =	vmul.f32 v2, v2;
	_ =	sdelay $0x1  }
0x18: {  	(erf) = vrcp.f32 v2;
	_ =	sdelay $0x3  }
0x19: {  	v2 =	vld [tilespmem:$0x2010]  }
0x1a: {  	v4 =	vld.idx.msk [tilespmem:v1+s1+$0x0], $0xffff;
	_ =	sdelay $0x3  }
0x1b: {  	v1 =	vor.u32 $0x10, v0;
	v2 =	vshll.u32 v2, $0x6;
	v3 =	vpop (erf)  }
0x1c: {  	v2 =	vor.u32 v1, v2;
	v5 =	vmul.f32 v3, v4  }
0x1d: {  	v3 =	vmul.f32 $-7.213475100e-01, v3  }
0x1e: {  	v6 =	vmul.f32 $1.442695020e+00, v5  }
0x1f: {  	[tilespmem:$0x2080] =	vst v3  }
0x20: {  	[tilespmem:$0x20C0] =	vst v6  }
0x21: {  	v3 =	vld.idx.msk [tilespmem:v2+s6+$0x0], $0xffff;
	_ =	sdelay $0x4  }
0x22: {  	v3 =	vmax.f32 v3, $1.000000000e-15  }
0x23: {  	v3 =	vmul.f32 v3, v3;
	_ =	sdelay $0x1  }
0x24: {  	(erf) = vrcp.f32 v3;
	_ =	sdelay $0x3  }
0x25: {  	v3 =	vld [tilespmem:$0x2020]  }
0x26: {  	v6 =	vld.idx.msk [tilespmem:v2+s1+$0x0], $0xffff;
	_ =	sdelay $0x3  }
0x27: {  	v2 =	vor.u32 $0x20, v0;
	v3 =	vshll.u32 v3, $0x6;
	v7 =	vpop (erf)  }
0x28: {  	v3 =	vor.u32 v2, v3;
	v8 =	vmul.f32 v7, v6  }
0x29: {  	v7 =	vmul.f32 $-7.213475100e-01, v7  }
0x2a: {  	v9 =	vmul.f32 $1.442695020e+00, v8  }
0x2b: {  	[tilespmem:$0x2090] =	vst v7  }
0x2c: {  	[tilespmem:$0x20D0] =	vst v9  }
0x2d: {  	v7 =	vld.idx.msk [tilespmem:v3+s6+$0x0], $0xffff;
	_ =	sdelay $0x4  }
0x2e: {  	v7 =	vmax.f32 v7, $1.000000000e-15  }
0x2f: {  	v7 =	vmul.f32 v7, v7;
	_ =	sdelay $0x1  }
0x30: {  	(erf) = vrcp.f32 v7;
	_ =	sdelay $0x3  }
0x31: {  	v7 =	vld [tilespmem:$0x2030]  }
0x32: {  	v9 =	vld.idx.msk [tilespmem:v3+s1+$0x0], $0xffff;
	_ =	sdelay $0x3  }
0x33: {  	v3 =	vor.u32 $0x30, v0;
	v7 =	vshll.u32 v7, $0x6;
	v10 =	vpop (erf)  }
0x34: {  	v7 =	vor.u32 v3, v7;
	v11 =	vmul.f32 v10, v9  }
0x35: {  	v10 =	vmul.f32 $-7.213475100e-01, v10  }
0x36: {  	v12 =	vmul.f32 $1.442695020e+00, v11  }
0x37: {  	[tilespmem:$0x20A0] =	vst v10  }
0x38: {  	[tilespmem:$0x20E0] =	vst v12  }
0x39: {  	v10 =	vld.idx.msk [tilespmem:v7+s6+$0x0], $0xffff;
	_ =	sdelay $0x4  }
0x3a: {  	v10 =	vmax.f32 v10, $1.000000000e-15  }
0x3b: {  	v10 =	vmul.f32 v10, v10;
	_ =	sdelay $0x1  }
0x3c: {  	(erf) = vrcp.f32 v10;
	_ =	sdelay $0x4  }
0x3d: {  	v7 =	vld.idx.msk [tilespmem:v7+s1+$0x0], $0xffff  }
0x3e: {  	v4 =	vmul.f32 v5, v4;
	_ =	sdelay $0x1  }
0x3f: {  	v4 =	vadd.f32 $0.0e+00, v4;
	v5 =	vmul.f32 v8, v6  }
0x40: {  	v6 =	vpop (erf)  }
0x41: {  	v4 =	vadd.f32 v5, v4;
	v54 =	vmul.f32 v11, v9;
	v5 =	vmul.f32 v6, v7  }
0x42: {  	v55 =	vld [tilespmem:$0x2040]  }
0x43: {  	v4 =	vadd.f32 v54, v4;
	v7 =	vmul.f32 v5, v7;
	_ =	sdelay $0x1  }
0x44: {  	v6 =	vmul.f32 $-7.213475100e-01, v6;
	v4 =	vadd.f32 v7, v4  }
0x45: {  	v5 =	vmul.f32 $1.442695020e+00, v5  }
0x46: {  	[tilespmem:$0x20B0] =	vst v6;
	v7 =	vshll.u32 v55, $0x6;
	v4 =	vmul.f32 $-1.803368780e-01, v4  }
0x47: {  	[tilespmem:$0x20F0] =	vst v5;
	v5 =	vor.u32 v0, v7  }
0x48: {  	[tilespmem:$0x2130] =	vst v4  }
0x49: {  	[tilespmem:$0x2120] =	vst v4  }
0x4a: {  	[tilespmem:$0x2100] =	vst v4  }
0x4b: {  	[tilespmem:$0x2110] =	vst v4  }
0x4c: {  	v4 =	vld.idx.msk [tilespmem:v5+s6+$0x0], $0xffff;
	_ =	sdelay $0x4  }
0x4d: {  	v4 =	vmax.f32 v4, $1.000000000e-15  }
0x4e: {  	v4 =	vmul.f32 v4, v4;
	_ =	sdelay $0x1  }
0x4f: {  	(erf) = vrcp.f32 v4;
	_ =	sdelay $0x3  }
0x50: {  	v4 =	vld [tilespmem:$0x2050]  }
0x51: {  	v5 =	vld.idx.msk [tilespmem:v5+s1+$0x0], $0xffff;
	_ =	sdelay $0x3  }
0x52: {  	v4 =	vshll.u32 v4, $0x6;
	v6 =	vpop (erf)  }
0x53: {  	v4 =	vor.u32 v1, v4;
	v7 =	vmul.f32 v6, v5  }
0x54: {  	v6 =	vmul.f32 $-7.213475100e-01, v6  }
0x55: {  	v56 =	vmul.f32 $1.442695020e+00, v7  }
0x56: {  	[tilespmem:$0x2140] =	vst v6  }
0x57: {  	[tilespmem:$0x2180] =	vst v56  }
0x58: {  	v6 =	vld.idx.msk [tilespmem:v4+s6+$0x0], $0xffff;
	_ =	sdelay $0x4  }
0x59: {  	v6 =	vmax.f32 v6, $1.000000000e-15  }
0x5a: {  	v6 =	vmul.f32 v6, v6;
	_ =	sdelay $0x1  }
0x5b: {  	(erf) = vrcp.f32 v6;
	_ =	sdelay $0x3  }
0x5c: {  	v6 =	vld [tilespmem:$0x2060]  }
0x5d: {  	v4 =	vld.idx.msk [tilespmem:v4+s1+$0x0], $0xffff;
	_ =	sdelay $0x3  }
0x5e: {  	v6 =	vshll.u32 v6, $0x6;
	v57 =	vpop (erf)  }
0x5f: {  	v6 =	vor.u32 v2, v6;
	v58 =	vmul.f32 v57, v4  }
0x60: {  	v8 =	vmul.f32 $-7.213475100e-01, v57  }
0x61: {  	v59 =	vmul.f32 $1.442695020e+00, v58  }
0x62: {  	[tilespmem:$0x2150] =	vst v8  }
0x63: {  	[tilespmem:$0x2190] =	vst v59  }
0x64: {  	v8 =	vld.idx.msk [tilespmem:v6+s6+$0x0], $0xffff;
	_ =	sdelay $0x4  }
0x65: {  	v8 =	vmax.f32 v8, $1.000000000e-15  }
0x66: {  	v8 =	vmul.f32 v8, v8;
	_ =	sdelay $0x1  }
0x67: {  	(erf) = vrcp.f32 v8;
	_ =	sdelay $0x3  }
0x68: {  	v60 =	vld [tilespmem:$0x2070]  }
0x69: {  	v6 =	vld.idx.msk [tilespmem:v6+s1+$0x0], $0xffff;
	_ =	sdelay $0x3  }
0x6a: {  	v8 =	vshll.u32 v60, $0x6;
	v61 =	vpop (erf)  }
0x6b: {  	v8 =	vor.u32 v3, v8;
	v62 =	vmul.f32 v61, v6  }
0x6c: {  	v10 =	vmul.f32 $-7.213475100e-01, v61  }
0x6d: {  	v63 =	vmul.f32 $1.442695020e+00, v62  }
0x6e: {  	[tilespmem:$0x2160] =	vst v10  }
0x6f: {  	[tilespmem:$0x21A0] =	vst v63  }
0x70: {  	v10 =	vld.idx.msk [tilespmem:v8+s6+$0x0], $0xffff;
	_ =	sdelay $0x4  }
0x71: {  	v10 =	vmax.f32 v10, $1.000000000e-15  }
0x72: {  	v10 =	vmul.f32 v10, v10;
	_ =	sdelay $0x1  }
0x73: {  	(erf) = vrcp.f32 v10;
	_ =	sdelay $0x4  }
0x74: {  	v8 =	vld.idx.msk [tilespmem:v8+s1+$0x0], $0xffff  }
0x75: {  	v5 =	vmul.f32 v7, v5;
	_ =	sdelay $0x1  }
0x76: {  	v5 =	vadd.f32 $0.0e+00, v5;
	v4 =	vmul.f32 v58, v4  }
0x77: {  	s11 =	ssub.s32 $0x2, s11;
	v7 =	vpop (erf)  }
0x78: {  	s12 =	sshrl.u32 s11, $0x1;
	v4 =	vadd.f32 v4, v5;
	v6 =	vmul.f32 v62, v6;
	v5 =	vmul.f32 v7, v8  }
0x79: {  	s11 =	ssub.s32 s11, s12  }
0x7a: {  	s11 =	smax.u32 s11, $0x1;
	v4 =	vadd.f32 v6, v4;
	v6 =	vmul.f32 v5, v8  }
0x7b: {  	p0 =	sne.s32 s11, $0x1  }
.Ltmp0:
0x7c: {  	v7 =	vmul.f32 $-7.213475100e-01, v7;
	v4 =	vadd.f32 v6, v4;
	(pc) =	sbr.rel @!p0 .LBB2_2-.Ltmp0, $4  }
0x7d: {  	v5 =	vmul.f32 $1.442695020e+00, v5  }
0x7e: {  	s10 =	smul.u32 $0x30, s10;
	[tilespmem:$0x2170] =	vst v7;
	v4 =	vmul.f32 $-1.803368780e-01, v4  }
0x7f: {  	[tilespmem:$0x21B0] =	vst v5  }
0x80: {  	s9 =	sadd.s32 s9, s10;
	s10 =	simm.s32 $0x2080;
	s11 =	sadd.s32 $0xFFFFFFFF, s11;
	[tilespmem:$0x21C0] =	vst v4  }
.LBB2_1:
0x81: {  	p0 =	sne.s32 s11, $0x1;
	s11 =	sadd.s32 $0xFFFFFFFF, s11;
	[tilespmem:$0x21F0] =	vst v4  }
0x82: {  	[tilespmem:$0x21E0] =	vst v4  }
0x83: {  	[tilespmem:$0x21D0] =	vst v4  }
0x84: {  	[hbm4b:s9+s1] =	stream.linear.scatter [tilespmem:s10], [sflag:$0x1], $0x180, $0x38;
	[tilespmem:$0x2200] =	vst v63  }
0x85: {  	_ =	swait.ge [sflag:s3], $0x180  }
0x86: {  	[sflag:s3] =	ssyncset.done $0x0  }
0x87: {  	[sflag:s3] =	ssyncadd.s32 $0xFFFFFE80  }
0x88: {  	[tilespmem:s1], [sflag:$0x1] =	stream.linear.gather [hbm4b:s4+s1], $0x1000, $0x38;
	[tilespmem:$0x2200] =	vst v63  }
0x89: {  	_ =	swait.ge [sflag:s3], $0x1000  }
0x8a: {  	[sflag:s3] =	ssyncset.done $0x0  }
0x8b: {  	[sflag:s3] =	ssyncadd.s32 $0xFFFFF000  }
0x8c: {  	[tilespmem:s6], [sflag:$0x1] =	stream.linear.gather [hbm4b:s5+s1], $0x1000, $0x38;
	[tilespmem:$0x2200] =	vst v63  }
0x8d: {  	_ =	swait.ge [sflag:s3], $0x1000  }
0x8e: {  	[sflag:s3] =	ssyncset.done $0x0  }
0x8f: {  	[sflag:s3] =	ssyncadd.s32 $0xFFFFF000  }
0x90: {  	[tilespmem:s8], [sflag:$0x1] =	stream.linear.gather [hbm4b:s7+s1], $0x80, $0x38;
	[tilespmem:$0x2200] =	vst v63  }
0x91: {  	_ =	swait.ge [sflag:s3], $0x80  }
0x92: {  	[sflag:s3] =	ssyncset.done $0x0  }
0x93: {  	[sflag:s3] =	ssyncadd.s32 $0xFFFFFF80  }
0x94: {  	v4 =	vld [tilespmem:$0x2000]  }
0x95: {  	v5 =	vld [tilespmem:$0x2010]  }
0x96: {  	v6 =	vld [tilespmem:$0x2020]  }
0x97: {  	v7 =	vld [tilespmem:$0x2030]  }
0x98: {  	v8 =	vld [tilespmem:$0x2040]  }
0x99: {  	v4 =	vshll.u32 v4, $0x6;
	v9 =	vld [tilespmem:$0x2050]  }
0x9a: {  	v10 =	vor.u32 v0, v4;
	v11 =	vshll.u32 v5, $0x6;
	v4 =	vld [tilespmem:$0x2060]  }
0x9b: {  	v12 =	vshll.u32 v6, $0x6;
	v13 =	vld [tilespmem:$0x2070]  }
0x9c: {  	v14 =	vshll.u32 v7, $0x6  }
0x9d: {  	v7 =	vshll.u32 v8, $0x6  }
0x9e: {  	v6 =	vshll.u32 v9, $0x6  }
0x9f: {  	v8 =	vld.idx.msk [tilespmem:v10+s6+$0x0], $0xffff;
	v5 =	vshll.u32 v4, $0x6  }
0xa0: {  	v4 =	vshll.u32 v13, $0x6;
	_ =	sdelay $0x4  }
0xa1: {  	v8 =	vmax.f32 v8, $1.000000000e-15  }
0xa2: {  	v8 =	vmul.f32 v8, v8;
	_ =	sdelay $0x1  }
0xa3: {  	(erf) = vrcp.f32 v8;
	_ =	sdelay $0x3  }
0xa4: {  	v8 =	vld.idx.msk [tilespmem:v10+s1+$0x0], $0xffff;
	_ =	sdelay $0x4  }
0xa5: {  	v9 =	vpop (erf)  }
0xa6: {  	v11 =	vor.u32 v1, v11;
	v10 =	vmul.f32 v9, v8;
	v9 =	vmul.f32 $-7.213475100e-01, v9;
	_ =	sdelay $0x1  }
0xa7: {  	v13 =	vmul.f32 $1.442695020e+00, v10;
	v8 =	vmul.f32 v10, v8  }
0xa8: {  	[tilespmem:$0x2080] =	vst v9  }
0xa9: {  	[tilespmem:$0x20C0] =	vst v13  }
0xaa: {  	v9 =	vld.idx.msk [tilespmem:v11+s6+$0x0], $0xffff;
	_ =	sdelay $0x5  }
0xab: {  	v9 =	vmax.f32 v9, $1.000000000e-15  }
0xac: {  	v9 =	vmul.f32 v9, v9;
	_ =	sdelay $0x1  }
0xad: {  	(erf) = vrcp.f32 v9;
	_ =	sdelay $0x3  }
0xae: {  	v9 =	vld.idx.msk [tilespmem:v11+s1+$0x0], $0xffff;
	_ =	sdelay $0x4  }
0xaf: {  	v10 =	vpop (erf)  }
0xb0: {  	v12 =	vor.u32 v2, v12;
	v11 =	vmul.f32 v10, v9;
	v10 =	vmul.f32 $-7.213475100e-01, v10;
	_ =	sdelay $0x1  }
0xb1: {  	v13 =	vmul.f32 $1.442695020e+00, v11;
	v9 =	vmul.f32 v11, v9  }
0xb2: {  	[tilespmem:$0x2090] =	vst v10  }
0xb3: {  	[tilespmem:$0x20D0] =	vst v13  }
0xb4: {  	v10 =	vld.idx.msk [tilespmem:v12+s6+$0x0], $0xffff;
	_ =	sdelay $0x5  }
0xb5: {  	v10 =	vmax.f32 v10, $1.000000000e-15  }
0xb6: {  	v10 =	vmul.f32 v10, v10;
	_ =	sdelay $0x1  }
0xb7: {  	(erf) = vrcp.f32 v10;
	_ =	sdelay $0x3  }
0xb8: {  	v10 =	vld.idx.msk [tilespmem:v12+s1+$0x0], $0xffff;
	_ =	sdelay $0x4  }
0xb9: {  	v11 =	vpop (erf)  }
0xba: {  	v13 =	vor.u32 v3, v14;
	v12 =	vmul.f32 v11, v10;
	v11 =	vmul.f32 $-7.213475100e-01, v11;
	_ =	sdelay $0x1  }
0xbb: {  	[tilespmem:$0x20A0] =	vst v11;
	v11 =	vmul.f32 $1.442695020e+00, v12;
	v10 =	vmul.f32 v12, v10;
	_ =	sdelay $0x1  }
0xbc: {  	[tilespmem:$0x20E0] =	vst v11  }
0xbd: {  	v11 =	vld.idx.msk [tilespmem:v13+s6+$0x0], $0xffff;
	_ =	sdelay $0x5  }
0xbe: {  	v11 =	vmax.f32 v11, $1.000000000e-15  }
0xbf: {  	v11 =	vmul.f32 v11, v11;
	_ =	sdelay $0x1  }
0xc0: {  	(erf) = vrcp.f32 v11;
	_ =	sdelay $0x3  }
0xc1: {  	v11 =	vld.idx.msk [tilespmem:v13+s1+$0x0], $0xffff;
	_ =	sdelay $0x3  }
0xc2: {  	v8 =	vadd.f32 $0.0e+00, v8  }
0xc3: {  	v12 =	vpop (erf)  }
0xc4: {  	v8 =	vadd.f32 v9, v8;
	v9 =	vmul.f32 v12, v11;
	v12 =	vmul.f32 $-7.213475100e-01, v12;
	_ =	sdelay $0x1  }
0xc5: {  	v8 =	vadd.f32 v10, v8;
	[tilespmem:$0x20B0] =	vst v12;
	v10 =	vmul.f32 $1.442695020e+00, v9;
	v9 =	vmul.f32 v9, v11;
	_ =	sdelay $0x1  }
0xc6: {  	[tilespmem:$0x20F0] =	vst v10;
	v8 =	vadd.f32 v9, v8;
	_ =	sdelay $0x1  }
0xc7: {  	v8 =	vmul.f32 $-1.803368780e-01, v8  }
0xc8: {  	v7 =	vor.u32 v0, v7  }
0xc9: {  	[tilespmem:$0x2130] =	vst v8  }
0xca: {  	[tilespmem:$0x2120] =	vst v8  }
0xcb: {  	[tilespmem:$0x2100] =	vst v8  }
0xcc: {  	[tilespmem:$0x2110] =	vst v8  }
0xcd: {  	v8 =	vld.idx.msk [tilespmem:v7+s6+$0x0], $0xffff;
	_ =	sdelay $0x5  }
0xce: {  	v8 =	vmax.f32 v8, $1.000000000e-15  }
0xcf: {  	v8 =	vmul.f32 v8, v8;
	_ =	sdelay $0x1  }
0xd0: {  	(erf) = vrcp.f32 v8;
	_ =	sdelay $0x3  }
0xd1: {  	v7 =	vld.idx.msk [tilespmem:v7+s1+$0x0], $0xffff;
	_ =	sdelay $0x4  }
0xd2: {  	v8 =	vpop (erf)  }
0xd3: {  	v6 =	vor.u32 v1, v6;
	v9 =	vmul.f32 v8, v7;
	v8 =	vmul.f32 $-7.213475100e-01, v8;
	_ =	sdelay $0x1  }
0xd4: {  	[tilespmem:$0x2140] =	vst v8;
	v8 =	vmul.f32 $1.442695020e+00, v9;
	v7 =	vmul.f32 v9, v7;
	_ =	sdelay $0x1  }
0xd5: {  	[tilespmem:$0x2180] =	vst v8  }
0xd6: {  	v8 =	vld.idx.msk [tilespmem:v6+s6+$0x0], $0xffff  }
0xd7: {  	v6 =	vld.idx.msk [tilespmem:v6+s1+$0x0], $0xffff;
	_ =	sdelay $0x4  }
0xd8: {  	v8 =	vmax.f32 v8, $1.000000000e-15  }
0xd9: {  	v8 =	vmul.f32 v8, v8;
	_ =	sdelay $0x1  }
0xda: {  	(erf) = vrcp.f32 v8;
	_ =	sdelay $0x8  }
0xdb: {  	v8 =	vpop (erf)  }
0xdc: {  	v5 =	vor.u32 v2, v5;
	v9 =	vmul.f32 v8, v6;
	v8 =	vmul.f32 $-7.213475100e-01, v8;
	_ =	sdelay $0x1  }
0xdd: {  	[tilespmem:$0x2150] =	vst v8;
	v8 =	vmul.f32 $1.442695020e+00, v9;
	v6 =	vmul.f32 v9, v6;
	_ =	sdelay $0x1  }
0xde: {  	[tilespmem:$0x2190] =	vst v8  }
0xdf: {  	v8 =	vld.idx.msk [tilespmem:v5+s6+$0x0], $0xffff  }
0xe0: {  	v5 =	vld.idx.msk [tilespmem:v5+s1+$0x0], $0xffff;
	_ =	sdelay $0x4  }
0xe1: {  	v8 =	vmax.f32 v8, $1.000000000e-15  }
0xe2: {  	v8 =	vmul.f32 v8, v8;
	_ =	sdelay $0x1  }
0xe3: {  	(erf) = vrcp.f32 v8;
	_ =	sdelay $0x8  }
0xe4: {  	v8 =	vpop (erf)  }
0xe5: {  	v4 =	vor.u32 v3, v4;
	v9 =	vmul.f32 v8, v5;
	v8 =	vmul.f32 $-7.213475100e-01, v8;
	_ =	sdelay $0x1  }
0xe6: {  	[tilespmem:$0x2160] =	vst v8;
	v8 =	vmul.f32 $1.442695020e+00, v9;
	v5 =	vmul.f32 v9, v5;
	_ =	sdelay $0x1  }
0xe7: {  	[tilespmem:$0x21A0] =	vst v8  }
0xe8: {  	v8 =	vld.idx.msk [tilespmem:v4+s6+$0x0], $0xffff  }
0xe9: {  	v4 =	vld.idx.msk [tilespmem:v4+s1+$0x0], $0xffff;
	_ =	sdelay $0x4  }
0xea: {  	v8 =	vmax.f32 v8, $1.000000000e-15  }
0xeb: {  	v8 =	vmul.f32 v8, v8;
	_ =	sdelay $0x1  }
0xec: {  	(erf) = vrcp.f32 v8;
	_ =	sdelay $0x7  }
0xed: {  	v7 =	vadd.f32 $0.0e+00, v7  }
0xee: {  	v8 =	vpop (erf)  }
0xef: {  	v6 =	vadd.f32 v6, v7;
	v7 =	vmul.f32 v8, v4;
	v8 =	vmul.f32 $-7.213475100e-01, v8;
	_ =	sdelay $0x1  }
0xf0: {  	v5 =	vadd.f32 v5, v6;
	[tilespmem:$0x2170] =	vst v8;
	v6 =	vmul.f32 $1.442695020e+00, v7;
	v4 =	vmul.f32 v7, v4;
	_ =	sdelay $0x1  }
.Ltmp1:
0xf1: {  	[tilespmem:$0x21B0] =	vst v6;
	v4 =	vadd.f32 v4, v5;
	(pc) =	sbr.rel @p0 .LBB2_1-.Ltmp1, $3  }
0xf2: {  	_ = 	snop  }
0xf3: {  	v4 =	vmul.f32 $-1.803368780e-01, v4;
	_ =	sdelay $0x1  }
0xf4: {  	[tilespmem:$0x21C0] =	vst v4  }
.LBB2_2:
0xf5: {  	[tilespmem:$0x21F0] =	vst v4  }
0xf6: {  	[tilespmem:$0x21E0] =	vst v4  }
0xf7: {  	[tilespmem:$0x21D0] =	vst v4  }
0xf8: {  	[hbm4b:s9+s1] =	stream.linear.scatter [tilespmem:s10], [sflag:$0x1], $0x180, $0x38;
	[tilespmem:$0x2200] =	vst v63  }
0xf9: {  	_ =	swait.ge [sflag:s3], $0x180  }
0xfa: {  	[sflag:s3] =	ssyncset.done $0x0  }
0xfb: {  	[sflag:s3] =	ssyncadd.s32 $0xFFFFFE80  }
0xfc: {  	_ =	sfence.sel $0x180000  }
0xfd: {  	[bflag:$0x0] =	sbarrier.arrive $0xFFFF  }
0xfe: {  	p0 =	sne.s32 s2, $0x0;
	_ =	strace $0x90000047  }
0xff: {  	s0 =	sadd.s32 @!p0 $0x100000, s0;
	[bflag:$0x2] =	sbarrier.arrive $0xFFFF  }
0x100: {  	[sflag:s0] =	ssyncadd.tile.s32 @!p0 $0x1;
	_ =	shalt  }
.Lfunc_end2:
_tile_overlayer_lowered:
.L_overlay_start_2:
0x101: {  	(tag) =	ssettag $0x2  }
0x102: {  	s0 =	rddreg [dreg:$0x0];
	s2 =	stileid.u32  }
0x103: {  	s1 =	rddreg [dreg:$0x1];
	p0 =	sne.s32 s2, $0x0  }
0x104: {  	s3 =	rddreg [dreg:$0x2];
	[bflag:$0x3] =	sbarrier.arrive $0xFFFF;
	s2 =	simm.s32 @!p0 $0x1C01  }
0x105: {  	[timem:s3], [sflag:s2] =	dma.local @!p0 [hbm:s0], s1  }
0x106: {  	s0 =	simm.s32 @!p0 $0x1  }
0x107: {  	_ =	swait.ge @!p0 [sflag:s0], s1  }
0x108: {  	s1 =	ssub.s32 @!p0 $0x0, s1;
	[sflag:s0] =	ssyncset.done @!p0 $0x0  }
0x109: {  	[sflag:s0] =	ssyncadd.s32 @!p0 s1  }
0x10a: {  	[bflag:$0x3] =	sbarrier.arrive $0xFFFF  }
0x10b: {  	_ =	shalt  }

</sc_bundles>
